<compile_context>
chip_gen: v7x
topology: tpu7x:2x2x1
jax: 0.10.2.dev20260603
libtpu: 0.0.44.dev20260713+nightly
codegen_flags: <defaults>
</compile_context>

<pallas_src>
import functools

import jax
import jax.numpy as jnp
from jax.experimental import pallas as pl
from jax.experimental.pallas import tpu as pltpu

F32 = jnp.float32


def _cell_kernel(TI, N, F, H, C, HID,
                 x_ref, xT_ref, a_ref, h_ref, Wg_ref, M1_ref, M2_ref,
                 bg_ref, bu_ref, br_ref, bc_ref, Wu_ref, Wr_ref, Wc_ref,
                 hp_ref, xp_sc, f2_sc):
    HIN = H * C
    i = pl.program_id(1)

    @pl.when(i == 0)
    def _prologue():
        xp_sc[...] = jnp.dot(x_ref[0], Wg_ref[...],
                             preferred_element_type=F32)
        f2_sc[...] = jnp.dot(M2_ref[...], xT_ref[0],
                             preferred_element_type=F32)

    x_i = x_ref[0, pl.ds(i * TI, TI), :]
    f1 = jnp.dot(x_i, M1_ref[...], preferred_element_type=F32)
    neg = (-1e9) * (1.0 - a_ref[0])

    outs = []
    for hh in range(H):
        e = f1[:, hh:hh + 1] + f2_sc[hh:hh + 1, :]
        e = jnp.where(e > 0, e, 0.2 * e)
        e = e + neg
        e = e - jnp.max(e, axis=1, keepdims=True)
        w = jnp.exp(e)
        attn = w / jnp.sum(w, axis=1, keepdims=True)
        outs.append(jnp.dot(attn, xp_sc[:, hh * C:(hh + 1) * C],
                            preferred_element_type=F32))
    conv = jnp.concatenate(outs, axis=1) + bg_ref[0:1, :]

    hcur = h_ref[0]

    def gate(W_ref, b_ref, hvec):
        return (b_ref[...] +
                jnp.dot(conv, W_ref[:HIN, :], preferred_element_type=F32) +
                jnp.dot(hvec, W_ref[HIN:, :], preferred_element_type=F32))

    u = jax.nn.sigmoid(gate(Wu_ref, bu_ref, hcur))
    r = jax.nn.sigmoid(gate(Wr_ref, br_ref, hcur))
    c = jnp.tanh(gate(Wc_ref, bc_ref, r * hcur))
    hp_ref[0] = u * hcur + (1.0 - u) * c


def _bil_kernel(TI, TJ, N, HID,
                hpi_ref, hpj_ref, Rp_ref, Rmu_ref, Rs_ref,
                S0_ref, S1_ref, S2_ref,
                out_ref, z_sc):
    i = pl.program_id(1)
    j = pl.program_id(2)

    @pl.when(i == 0)
    def _build_z():
        hpj = hpj_ref[0]
        dn = (((1,), (1,)), ((), ()))
        zint = None
        for R, S in ((Rp_ref, S0_ref), (Rmu_ref, S1_ref), (Rs_ref, S2_ref)):
            zk = jax.lax.dot_general(R[...], hpj, dn,
                                     preferred_element_type=F32)
            t = jnp.dot(zk, S[...], preferred_element_type=F32)
            zint = t if zint is None else zint + t
        z_sc[:, pl.ds(j * 3 * TJ, 3 * TJ)] = zint

    out_ref[0] = jnp.dot(hpi_ref[0], z_sc[:, pl.ds(j * 3 * TJ, 3 * TJ)],
                         preferred_element_type=F32)


def kernel(x, a, h, W_gat, a_self, a_neigh, bias_gat, b_u, b_r, b_c,
           W_u, W_r, W_c, R_p, R_mu, R_sigma):
    B, N, F = x.shape
    H, C = a_self.shape
    HIN = H * C
    HID = h.shape[-1]
    TI = 256
    TJ = 512
    NI = N // TI
    NJ = N // TJ

    eyeH = jnp.eye(H, dtype=F32)
    Asel = (a_self[:, :, None] * eyeH[:, None, :]).reshape(HIN, H)
    Anei = (a_neigh[:, :, None] * eyeH[:, None, :]).reshape(HIN, H)
    M1 = W_gat @ Asel
    M2 = jnp.zeros((8, F), F32).at[:H, :].set((W_gat @ Anei).T)
    xT = jnp.swapaxes(x, 1, 2)
    bg = bias_gat.reshape(1, HIN)

    jr = jnp.arange(TJ)
    jc = jnp.arange(3 * TJ)
    Ssel = [(jc[None, :] == (3 * jr[:, None] + k)).astype(F32)
            for k in range(3)]

    hp = pl.pallas_call(
        functools.partial(_cell_kernel, TI, N, F, H, C, HID),
        grid=(B, NI),
        in_specs=[
            pl.BlockSpec((1, N, F), lambda b, i: (b, 0, 0)),
            pl.BlockSpec((1, F, N), lambda b, i: (b, 0, 0)),
            pl.BlockSpec((1, TI, N), lambda b, i: (b, i, 0)),
            pl.BlockSpec((1, TI, HID), lambda b, i: (b, i, 0)),
            pl.BlockSpec((F, HIN), lambda b, i: (0, 0)),
            pl.BlockSpec((F, H), lambda b, i: (0, 0)),
            pl.BlockSpec((8, F), lambda b, i: (0, 0)),
            pl.BlockSpec((1, HIN), lambda b, i: (0, 0)),
            pl.BlockSpec((TI, 1), lambda b, i: (i, 0)),
            pl.BlockSpec((TI, 1), lambda b, i: (i, 0)),
            pl.BlockSpec((TI, 1), lambda b, i: (i, 0)),
            pl.BlockSpec((HID + HIN, HID), lambda b, i: (0, 0)),
            pl.BlockSpec((HID + HIN, HID), lambda b, i: (0, 0)),
            pl.BlockSpec((HID + HIN, HID), lambda b, i: (0, 0)),
        ],
        out_specs=pl.BlockSpec((1, TI, HID), lambda b, i: (b, i, 0)),
        out_shape=jax.ShapeDtypeStruct((B, N, HID), F32),
        scratch_shapes=[
            pltpu.VMEM((N, HIN), F32),
            pltpu.VMEM((8, N), F32),
        ],
    )(x, xT, a, h, W_gat, M1, M2, bg, b_u, b_r, b_c, W_u, W_r, W_c)

    out = pl.pallas_call(
        functools.partial(_bil_kernel, TI, TJ, N, HID),
        grid=(B, NI, NJ),
        in_specs=[
            pl.BlockSpec((1, TI, HID), lambda b, i, j: (b, i, 0)),
            pl.BlockSpec((1, TJ, HID), lambda b, i, j: (b, j, 0)),
            pl.BlockSpec((HID, HID), lambda b, i, j: (0, 0)),
            pl.BlockSpec((HID, HID), lambda b, i, j: (0, 0)),
            pl.BlockSpec((HID, HID), lambda b, i, j: (0, 0)),
            pl.BlockSpec((TJ, 3 * TJ), lambda b, i, j: (0, 0)),
            pl.BlockSpec((TJ, 3 * TJ), lambda b, i, j: (0, 0)),
            pl.BlockSpec((TJ, 3 * TJ), lambda b, i, j: (0, 0)),
        ],
        out_specs=pl.BlockSpec((1, TI, 3 * TJ), lambda b, i, j: (b, i, j)),
        out_shape=jax.ShapeDtypeStruct((B, N, 3 * N), F32),
        scratch_shapes=[pltpu.VMEM((HID, 3 * N), F32)],
    )(hp, hp, R_p, R_mu, R_sigma, *Ssel)

    logits = out.reshape(B, N, N, 3)
    return (logits, hp)

# --- scband reference (transcript-rebuilt; emitter-appended) ---
"""Pipeline reference for scband-nested-cell2-59493886984654 (READ-ONLY COPY).

The authoritative reference and input builder live on the scoring server;
editing this copy changes nothing except your own understanding.
"""

import jax, jax.numpy as jnp
import numpy as np

B, N, F = 2, 2048, 128
H, C = 2, 32
HIN = H * C
HID = 64


def setup_inputs(seed: int = 0) -> dict:
    key = jax.random.key(seed)
    ks = jax.random.split(key, 16)
    x = jax.random.normal(ks[0], (B, N, F), dtype=jnp.float32)
    a = (jax.random.uniform(ks[1], (B, N, N)) < 0.01).astype(jnp.float32)
    a = jnp.clip(a + jnp.eye(N, dtype=jnp.float32)[None], 0.0, 1.0)
    h = jax.random.normal(ks[2], (B, N, HID), dtype=jnp.float32)

    def gn(k, shape):
        fan = shape[0]
        return (jax.random.normal(k, shape, dtype=jnp.float32) * (1.0 / np.sqrt(fan))).astype(jnp.float32)

    W_gat = gn(ks[3], (F, H * C))
    a_self = gn(ks[4], (H, C))
    a_neigh = gn(ks[5], (H, C))
    bias_gat = jnp.zeros((H * C,), dtype=jnp.float32)
    b_u = gn(ks[6], (N, 1))
    b_r = gn(ks[7], (N, 1))
    b_c = gn(ks[8], (N, 1))
    W_u = gn(ks[9], (HID + HIN, HID))
    W_r = gn(ks[10], (HID + HIN, HID))
    W_c = gn(ks[11], (HID + HIN, HID))
    R_p = gn(ks[12], (HID, HID))
    R_mu = gn(ks[13], (HID, HID))
    R_sigma = gn(ks[14], (HID, HID))
    return {"x": x, "a": a, "h": h, "W_gat": W_gat, "a_self": a_self,
            "a_neigh": a_neigh, "bias_gat": bias_gat, "b_u": b_u, "b_r": b_r,
            "b_c": b_c, "W_u": W_u, "W_r": W_r, "W_c": W_c,
            "R_p": R_p, "R_mu": R_mu, "R_sigma": R_sigma}


def _gat(x, a, W_gat, a_self, a_neigh, bias_gat):
    # dense-mode GATConv with concat_heads=True (spektral-style)
    xp = jnp.einsum('bnf,fk->bnk', x, W_gat).reshape(B, N, H, C)
    f1 = jnp.einsum('bnhc,hc->bnh', xp, a_self)
    f2 = jnp.einsum('bnhc,hc->bnh', xp, a_neigh)
    e = f1[:, :, None, :] + f2[:, None, :, :]          # (B, N, N, H)
    e = jnp.where(e > 0, e, 0.2 * e)                    # LeakyReLU(0.2)
    e = e + (-1e9) * (1.0 - a)[..., None]               # adjacency mask
    attn = jax.nn.softmax(e, axis=2)                    # softmax over neighbors
    out = jnp.einsum('bijh,bjhc->bihc', attn, xp).reshape(B, N, H * C)
    return out + bias_gat


def reference(x, a, h, W_gat, a_self, a_neigh, bias_gat, b_u, b_r, b_c,
              W_u, W_r, W_c, R_p, R_mu, R_sigma):
    conv = _gat(x, a, W_gat, a_self, a_neigh, bias_gat)
    cu = jnp.concatenate([conv, h], axis=-1)
    u = jax.nn.sigmoid(b_u + cu @ W_u)
    r = jax.nn.sigmoid(b_r + cu @ W_r)
    cc = jnp.concatenate([conv, r * h], axis=-1)
    c = jnp.tanh(b_c + cc @ W_c)
    h_prime = u * h + (1.0 - u) * c
    # dropout is identity at inference (training=False)

    def bil(Rm):  # BatchBilinearDecoderDense, activation=None
        return jnp.einsum('bnd,de,bme->bnm', h_prime, Rm, h_prime)

    p = bil(R_p)[..., None]
    mu = bil(R_mu)[..., None]
    sigma = bil(R_sigma)[..., None]
    logits = jnp.concatenate([p, mu, sigma], axis=-1)   # (B, N, N, 3)
    return (logits, h_prime)

if __name__ == "__main__":
    import jax
    _d = setup_inputs()
    print(jax.jit(kernel)(*tuple(_d.values())))

</pallas_src>

<mosaic_0001>
module attributes {stable_mosaic.version = 14 : i64} {
  func.func @_bil_kernel(%arg0: i32, %arg1: i32, %arg2: i32, %arg3: memref<1x256x64xf32, #tpu.memory_space<vmem>>, %arg4: memref<1x512x64xf32, #tpu.memory_space<vmem>>, %arg5: memref<64x64xf32, #tpu.memory_space<vmem>>, %arg6: memref<64x64xf32, #tpu.memory_space<vmem>>, %arg7: memref<64x64xf32, #tpu.memory_space<vmem>>, %arg8: memref<512x1536xf32, #tpu.memory_space<vmem>>, %arg9: memref<512x1536xf32, #tpu.memory_space<vmem>>, %arg10: memref<512x1536xf32, #tpu.memory_space<vmem>>, %arg11: memref<1x256x1536xf32, #tpu.memory_space<vmem>>, %arg12: memref<64x6144xf32, #tpu.memory_space<vmem>>) attributes {dimension_semantics = [#tpu.dimension_semantics<arbitrary>, #tpu.dimension_semantics<arbitrary>, #tpu.dimension_semantics<arbitrary>], iteration_bounds = array<i64: 2, 8, 4>, scalar_prefetch = 0 : i64, scratch_operands = 1 : i64, tpu.core_type = #tpu.core_type<tc>, window_params = [{transform_indices = @transform_0, window_bounds = array<i64: 1, 256, 64>}, {transform_indices = @transform_1, window_bounds = array<i64: 1, 512, 64>}, {pipeline_mode = #tpu.pipeline_mode<synchronous>, transform_indices = @transform_2, window_bounds = array<i64: 64, 64>}, {pipeline_mode = #tpu.pipeline_mode<synchronous>, transform_indices = @transform_3, window_bounds = array<i64: 64, 64>}, {pipeline_mode = #tpu.pipeline_mode<synchronous>, transform_indices = @transform_4, window_bounds = array<i64: 64, 64>}, {pipeline_mode = #tpu.pipeline_mode<synchronous>, transform_indices = @transform_5, window_bounds = array<i64: 512, 1536>}, {pipeline_mode = #tpu.pipeline_mode<synchronous>, transform_indices = @transform_6, window_bounds = array<i64: 512, 1536>}, {pipeline_mode = #tpu.pipeline_mode<synchronous>, transform_indices = @transform_7, window_bounds = array<i64: 512, 1536>}, {transform_indices = @transform_8, window_bounds = array<i64: 1, 256, 1536>}]} {
    %eq3A = arith.constant 0 : i32
    %eq3A_0 = arith.cmpi eq, %arg1, %eq3A : i32
    %convert_element_type3A = arith.extui %eq3A_0 : i1 to i32
    %cond3A = arith.constant 0 : i32
    %cond3A_1 = arith.cmpi ne, %convert_element_type3A, %cond3A : i32
    scf.if %cond3A_1 {
      %get3A_18 = arith.constant 0 : index
      %get3A_19 = arith.constant 0 : index
      %get3A_20 = arith.constant 0 : index
      %get3A_21 = vector.load %arg4[%get3A_18, %get3A_19, %get3A_20] : memref<1x512x64xf32, #tpu.memory_space<vmem>>, vector<1x512x64xf32>
      %get3A_22 = vector.shape_cast %get3A_21 : vector<1x512x64xf32> to vector<512x64xf32>
      %get3A_23 = arith.constant 0 : index
      %get3A_24 = arith.constant 0 : index
      %get3A_25 = vector.load %arg5[%get3A_23, %get3A_24] : memref<64x64xf32, #tpu.memory_space<vmem>>, vector<64x64xf32>
      %dot_general3A_26 = arith.constant dense<0.000000e+00> : vector<64x512xf32>
      %dot_general3A_27 = tpu.matmul %get3A_25, %get3A_22, %dot_general3A_26 {dimension_numbers = #tpu.dot_dimension_numbers<[1], [1], [0], [0], [0, 0, 1, 0], [], []>, transpose_lhs_hint = false} : vector<64x64xf32>, vector<512x64xf32>, vector<64x512xf32> -> vector<64x512xf32>
      %get3A_28 = arith.constant 0 : index
      %get3A_29 = arith.constant 0 : index
      %get3A_30 = vector.load %arg8[%get3A_28, %get3A_29] : memref<512x1536xf32, #tpu.memory_space<vmem>>, vector<512x1536xf32>
      %dot_general3A_31 = arith.constant dense<0.000000e+00> : vector<64x1536xf32>
      %dot_general3A_32 = tpu.matmul %dot_general3A_27, %get3A_30, %dot_general3A_31 {dimension_numbers = #tpu.dot_dimension_numbers<[1], [0], [0], [1], [0, 0, 1, 1], [], []>, transpose_lhs_hint = false} : vector<64x512xf32>, vector<512x1536xf32>, vector<64x1536xf32> -> vector<64x1536xf32>
      %get3A_33 = arith.constant 0 : index
      %get3A_34 = arith.constant 0 : index
      %get3A_35 = vector.load %arg6[%get3A_33, %get3A_34] : memref<64x64xf32, #tpu.memory_space<vmem>>, vector<64x64xf32>
      %dot_general3A_36 = arith.constant dense<0.000000e+00> : vector<64x512xf32>
      %dot_general3A_37 = tpu.matmul %get3A_35, %get3A_22, %dot_general3A_36 {dimension_numbers = #tpu.dot_dimension_numbers<[1], [1], [0], [0], [0, 0, 1, 0], [], []>, transpose_lhs_hint = false} : vector<64x64xf32>, vector<512x64xf32>, vector<64x512xf32> -> vector<64x512xf32>
      %get3A_38 = arith.constant 0 : index
      %get3A_39 = arith.constant 0 : index
      %get3A_40 = vector.load %arg9[%get3A_38, %get3A_39] : memref<512x1536xf32, #tpu.memory_space<vmem>>, vector<512x1536xf32>
      %dot_general3A_41 = arith.constant dense<0.000000e+00> : vector<64x1536xf32>
      %dot_general3A_42 = tpu.matmul %dot_general3A_37, %get3A_40, %dot_general3A_41 {dimension_numbers = #tpu.dot_dimension_numbers<[1], [0], [0], [1], [0, 0, 1, 1], [], []>, transpose_lhs_hint = false} : vector<64x512xf32>, vector<512x1536xf32>, vector<64x1536xf32> -> vector<64x1536xf32>
      %add3A = arith.addf %dot_general3A_32, %dot_general3A_42 : vector<64x1536xf32>
      %get3A_43 = arith.constant 0 : index
      %get3A_44 = arith.constant 0 : index
      %get3A_45 = vector.load %arg7[%get3A_43, %get3A_44] : memref<64x64xf32, #tpu.memory_space<vmem>>, vector<64x64xf32>
      %dot_general3A_46 = arith.constant dense<0.000000e+00> : vector<64x512xf32>
      %dot_general3A_47 = tpu.matmul %get3A_45, %get3A_22, %dot_general3A_46 {dimension_numbers = #tpu.dot_dimension_numbers<[1], [1], [0], [0], [0, 0, 1, 0], [], []>, transpose_lhs_hint = false} : vector<64x64xf32>, vector<512x64xf32>, vector<64x512xf32> -> vector<64x512xf32>
      %get3A_48 = arith.constant 0 : index
      %get3A_49 = arith.constant 0 : index
      %get3A_50 = vector.load %arg10[%get3A_48, %get3A_49] : memref<512x1536xf32, #tpu.memory_space<vmem>>, vector<512x1536xf32>
      %dot_general3A_51 = arith.constant dense<0.000000e+00> : vector<64x1536xf32>
      %dot_general3A_52 = tpu.matmul %dot_general3A_47, %get3A_50, %dot_general3A_51 {dimension_numbers = #tpu.dot_dimension_numbers<[1], [0], [0], [1], [0, 0, 1, 1], [], []>, transpose_lhs_hint = false} : vector<64x512xf32>, vector<512x1536xf32>, vector<64x1536xf32> -> vector<64x1536xf32>
      %add3A_53 = arith.addf %add3A, %dot_general3A_52 : vector<64x1536xf32>
      %mul3A_54 = arith.constant 3 : i32
      %mul3A_55 = arith.muli %arg2, %mul3A_54 : i32
      %mul3A_56 = arith.constant 512 : i32
      %mul3A_57 = arith.muli %mul3A_55, %mul3A_56 : i32
      %swap3A_58 = arith.constant 0 : index
      %swap3A_59 = arith.index_cast %mul3A_57 : i32 to index
      %swap3A_60 = vector.load %arg12[%swap3A_58, %swap3A_59] : memref<64x6144xf32, #tpu.memory_space<vmem>>, vector<64x1536xf32>
      tpu.vector_store %arg12[%swap3A_58, %swap3A_59], %add3A_53 {strides = array<i32>} : memref<64x6144xf32, #tpu.memory_space<vmem>>, vector<64x1536xf32>,
    } else {
    }
    %get3A = arith.constant 0 : index
    %get3A_2 = arith.constant 0 : index
    %get3A_3 = arith.constant 0 : index
    %get3A_4 = vector.load %arg3[%get3A, %get3A_2, %get3A_3] : memref<1x256x64xf32, #tpu.memory_space<vmem>>, vector<1x256x64xf32>
    %get3A_5 = vector.shape_cast %get3A_4 : vector<1x256x64xf32> to vector<256x64xf32>
    %mul3A = arith.constant 3 : i32
    %mul3A_6 = arith.muli %arg2, %mul3A : i32
    %mul3A_7 = arith.constant 512 : i32
    %mul3A_8 = arith.muli %mul3A_6, %mul3A_7 : i32
    %get3A_9 = arith.constant 0 : index
    %get3A_10 = arith.index_cast %mul3A_8 : i32 to index
    %get3A_11 = vector.load %arg12[%get3A_9, %get3A_10] : memref<64x6144xf32, #tpu.memory_space<vmem>>, vector<64x1536xf32>
    %dot_general3A = arith.constant dense<0.000000e+00> : vector<256x1536xf32>
    %dot_general3A_12 = tpu.matmul %get3A_5, %get3A_11, %dot_general3A {dimension_numbers = #tpu.dot_dimension_numbers<[1], [0], [0], [1], [0, 0, 1, 1], [], []>, transpose_lhs_hint = false} : vector<256x64xf32>, vector<64x1536xf32>, vector<256x1536xf32> -> vector<256x1536xf32>
    %swap3A = arith.constant 0 : index
    %swap3A_13 = arith.constant 0 : index
    %swap3A_14 = arith.constant 0 : index
    %swap3A_15 = vector.load %arg11[%swap3A, %swap3A_13, %swap3A_14] : memref<1x256x1536xf32, #tpu.memory_space<vmem>>, vector<1x256x1536xf32>
    %swap3A_16 = vector.shape_cast %swap3A_15 : vector<1x256x1536xf32> to vector<256x1536xf32>
    %swap3A_17 = vector.shape_cast %dot_general3A_12 : vector<256x1536xf32> to vector<1x256x1536xf32>
    tpu.vector_store %arg11[%swap3A, %swap3A_13, %swap3A_14], %swap3A_17 {strides = array<i32>} : memref<1x256x1536xf32, #tpu.memory_space<vmem>>, vector<1x256x1536xf32>,
    return
  }
  func.func @transform_0(%arg0: i32, %arg1: i32, %arg2: i32) -> (i32, i32, i32) {
    %c0_i32 = arith.constant 0 : i32
    %c0_i32_0 = arith.constant 0 : i32
    return %arg0, %arg1, %c0_i32 : i32, i32, i32
  }
  func.func @transform_1(%arg0: i32, %arg1: i32, %arg2: i32) -> (i32, i32, i32) {
    %c0_i32 = arith.constant 0 : i32
    %c0_i32_0 = arith.constant 0 : i32
    return %arg0, %arg2, %c0_i32 : i32, i32, i32
  }
  func.func @transform_2(%arg0: i32, %arg1: i32, %arg2: i32) -> (i32, i32) {
    %c0_i32 = arith.constant 0 : i32
    %c0_i32_0 = arith.constant 0 : i32
    %c0_i32_1 = arith.constant 0 : i32
    return %c0_i32, %c0_i32_0 : i32, i32
  }
  func.func @transform_3(%arg0: i32, %arg1: i32, %arg2: i32) -> (i32, i32) {
    %c0_i32 = arith.constant 0 : i32
    %c0_i32_0 = arith.constant 0 : i32
    %c0_i32_1 = arith.constant 0 : i32
    return %c0_i32, %c0_i32_0 : i32, i32
  }
  func.func @transform_4(%arg0: i32, %arg1: i32, %arg2: i32) -> (i32, i32) {
    %c0_i32 = arith.constant 0 : i32
    %c0_i32_0 = arith.constant 0 : i32
    %c0_i32_1 = arith.constant 0 : i32
    return %c0_i32, %c0_i32_0 : i32, i32
  }
  func.func @transform_5(%arg0: i32, %arg1: i32, %arg2: i32) -> (i32, i32) {
    %c0_i32 = arith.constant 0 : i32
    %c0_i32_0 = arith.constant 0 : i32
    %c0_i32_1 = arith.constant 0 : i32
    return %c0_i32, %c0_i32_0 : i32, i32
  }
  func.func @transform_6(%arg0: i32, %arg1: i32, %arg2: i32) -> (i32, i32) {
    %c0_i32 = arith.constant 0 : i32
    %c0_i32_0 = arith.constant 0 : i32
    %c0_i32_1 = arith.constant 0 : i32
    return %c0_i32, %c0_i32_0 : i32, i32
  }
  func.func @transform_7(%arg0: i32, %arg1: i32, %arg2: i32) -> (i32, i32) {
    %c0_i32 = arith.constant 0 : i32
    %c0_i32_0 = arith.constant 0 : i32
    %c0_i32_1 = arith.constant 0 : i32
    return %c0_i32, %c0_i32_0 : i32, i32
  }
  func.func @transform_8(%arg0: i32, %arg1: i32, %arg2: i32) -> (i32, i32, i32) {
    %c0_i32 = arith.constant 0 : i32
    return %arg0, %arg1, %arg2 : i32, i32, i32
  }
}

module attributes {stable_mosaic.version = 14 : i64} {
  func.func @_cell_kernel(%arg0: i32, %arg1: i32, %arg2: memref<1x2048x128xf32, #tpu.memory_space<vmem>>, %arg3: memref<1x128x2048xf32, #tpu.memory_space<vmem>>, %arg4: memref<1x256x2048xf32, #tpu.memory_space<vmem>>, %arg5: memref<1x256x64xf32, #tpu.memory_space<vmem>>, %arg6: memref<128x64xf32, #tpu.memory_space<vmem>>, %arg7: memref<128x2xf32, #tpu.memory_space<vmem>>, %arg8: memref<8x128xf32, #tpu.memory_space<vmem>>, %arg9: memref<1x64xf32, #tpu.memory_space<vmem>>, %arg10: memref<256x1xf32, #tpu.memory_space<vmem>>, %arg11: memref<256x1xf32, #tpu.memory_space<vmem>>, %arg12: memref<256x1xf32, #tpu.memory_space<vmem>>, %arg13: memref<128x64xf32, #tpu.memory_space<vmem>>, %arg14: memref<128x64xf32, #tpu.memory_space<vmem>>, %arg15: memref<128x64xf32, #tpu.memory_space<vmem>>, %arg16: memref<1x256x64xf32, #tpu.memory_space<vmem>>, %arg17: memref<2048x64xf32, #tpu.memory_space<vmem>>, %arg18: memref<8x2048xf32, #tpu.memory_space<vmem>>) attributes {dimension_semantics = [#tpu.dimension_semantics<arbitrary>, #tpu.dimension_semantics<arbitrary>], iteration_bounds = array<i64: 2, 8>, scalar_prefetch = 0 : i64, scratch_operands = 2 : i64, tpu.core_type = #tpu.core_type<tc>, window_params = [{transform_indices = @transform_0, window_bounds = array<i64: 1, 2048, 128>}, {transform_indices = @transform_1, window_bounds = array<i64: 1, 128, 2048>}, {transform_indices = @transform_2, window_bounds = array<i64: 1, 256, 2048>}, {transform_indices = @transform_3, window_bounds = array<i64: 1, 256, 64>}, {pipeline_mode = #tpu.pipeline_mode<synchronous>, transform_indices = @transform_4, window_bounds = array<i64: 128, 64>}, {pipeline_mode = #tpu.pipeline_mode<synchronous>, transform_indices = @transform_5, window_bounds = array<i64: 128, 2>}, {pipeline_mode = #tpu.pipeline_mode<synchronous>, transform_indices = @transform_6, window_bounds = array<i64: 8, 128>}, {pipeline_mode = #tpu.pipeline_mode<synchronous>, transform_indices = @transform_7, window_bounds = array<i64: 1, 64>}, {transform_indices = @transform_8, window_bounds = array<i64: 256, 1>}, {transform_indices = @transform_9, window_bounds = array<i64: 256, 1>}, {transform_indices = @transform_10, window_bounds = array<i64: 256, 1>}, {pipeline_mode = #tpu.pipeline_mode<synchronous>, transform_indices = @transform_11, window_bounds = array<i64: 128, 64>}, {pipeline_mode = #tpu.pipeline_mode<synchronous>, transform_indices = @transform_12, window_bounds = array<i64: 128, 64>}, {pipeline_mode = #tpu.pipeline_mode<synchronous>, transform_indices = @transform_13, window_bounds = array<i64: 128, 64>}, {transform_indices = @transform_14, window_bounds = array<i64: 1, 256, 64>}]} {
    %eq3A = arith.constant 0 : i32
    %eq3A_0 = arith.cmpi eq, %arg1, %eq3A : i32
    %convert_element_type3A = arith.extui %eq3A_0 : i1 to i32
    %cond3A = arith.constant 0 : i32
    %cond3A_1 = arith.cmpi ne, %convert_element_type3A, %cond3A : i32
    scf.if %cond3A_1 {
      %get3A_155 = arith.constant 0 : index
      %get3A_156 = arith.constant 0 : index
      %get3A_157 = arith.constant 0 : index
      %get3A_158 = vector.load %arg2[%get3A_155, %get3A_156, %get3A_157] : memref<1x2048x128xf32, #tpu.memory_space<vmem>>, vector<1x2048x128xf32>
      %get3A_159 = vector.shape_cast %get3A_158 : vector<1x2048x128xf32> to vector<2048x128xf32>
      %get3A_160 = arith.constant 0 : index
      %get3A_161 = arith.constant 0 : index
      %get3A_162 = vector.load %arg6[%get3A_160, %get3A_161] : memref<128x64xf32, #tpu.memory_space<vmem>>, vector<128x64xf32>
      %dot_general3A_163 = arith.constant dense<0.000000e+00> : vector<2048x64xf32>
      %dot_general3A_164 = tpu.matmul %get3A_159, %get3A_162, %dot_general3A_163 {dimension_numbers = #tpu.dot_dimension_numbers<[1], [0], [0], [1], [0, 0, 1, 1], [], []>, transpose_lhs_hint = false} : vector<2048x128xf32>, vector<128x64xf32>, vector<2048x64xf32> -> vector<2048x64xf32>
      %swap3A_165 = arith.constant 0 : index
      %swap3A_166 = arith.constant 0 : index
      %swap3A_167 = vector.load %arg17[%swap3A_165, %swap3A_166] : memref<2048x64xf32, #tpu.memory_space<vmem>>, vector<2048x64xf32>
      tpu.vector_store %arg17[%swap3A_165, %swap3A_166], %dot_general3A_164 {strides = array<i32>} : memref<2048x64xf32, #tpu.memory_space<vmem>>, vector<2048x64xf32>,
      %get3A_168 = arith.constant 0 : index
      %get3A_169 = arith.constant 0 : index
      %get3A_170 = vector.load %arg8[%get3A_168, %get3A_169] : memref<8x128xf32, #tpu.memory_space<vmem>>, vector<8x128xf32>
      %get3A_171 = arith.constant 0 : index
      %get3A_172 = arith.constant 0 : index
      %get3A_173 = arith.constant 0 : index
      %get3A_174 = vector.load %arg3[%get3A_171, %get3A_172, %get3A_173] : memref<1x128x2048xf32, #tpu.memory_space<vmem>>, vector<1x128x2048xf32>
      %get3A_175 = vector.shape_cast %get3A_174 : vector<1x128x2048xf32> to vector<128x2048xf32>
      %dot_general3A_176 = arith.constant dense<0.000000e+00> : vector<8x2048xf32>
      %dot_general3A_177 = tpu.matmul %get3A_170, %get3A_175, %dot_general3A_176 {dimension_numbers = #tpu.dot_dimension_numbers<[1], [0], [0], [1], [0, 0, 1, 1], [], []>, transpose_lhs_hint = false} : vector<8x128xf32>, vector<128x2048xf32>, vector<8x2048xf32> -> vector<8x2048xf32>
      %swap3A_178 = arith.constant 0 : index
      %swap3A_179 = arith.constant 0 : index
      %swap3A_180 = vector.load %arg18[%swap3A_178, %swap3A_179] : memref<8x2048xf32, #tpu.memory_space<vmem>>, vector<8x2048xf32>
      tpu.vector_store %arg18[%swap3A_178, %swap3A_179], %dot_general3A_177 {strides = array<i32>} : memref<8x2048xf32, #tpu.memory_space<vmem>>, vector<8x2048xf32>,
    } else {
    }
    %mul3A = arith.constant 256 : i32
    %mul3A_2 = arith.muli %arg1, %mul3A : i32
    %get3A = arith.constant 0 : index
    %get3A_3 = arith.index_cast %mul3A_2 : i32 to index
    %get3A_4 = arith.constant 0 : index
    %get3A_5 = vector.load %arg2[%get3A, %get3A_3, %get3A_4] : memref<1x2048x128xf32, #tpu.memory_space<vmem>>, vector<1x256x128xf32>
    %get3A_6 = vector.shape_cast %get3A_5 : vector<1x256x128xf32> to vector<256x128xf32>
    %get3A_7 = arith.constant 0 : index
    %get3A_8 = arith.constant 0 : index
    %get3A_9 = vector.load %arg7[%get3A_7, %get3A_8] : memref<128x2xf32, #tpu.memory_space<vmem>>, vector<128x2xf32>
    %dot_general3A = arith.constant dense<0.000000e+00> : vector<256x2xf32>
    %dot_general3A_10 = tpu.matmul %get3A_6, %get3A_9, %dot_general3A {dimension_numbers = #tpu.dot_dimension_numbers<[1], [0], [0], [1], [0, 0, 1, 1], [], []>, transpose_lhs_hint = false} : vector<256x128xf32>, vector<128x2xf32>, vector<256x2xf32> -> vector<256x2xf32>
    %get3A_11 = arith.constant 0 : index
    %get3A_12 = arith.constant 0 : index
    %get3A_13 = arith.constant 0 : index
    %get3A_14 = vector.load %arg4[%get3A_11, %get3A_12, %get3A_13] : memref<1x256x2048xf32, #tpu.memory_space<vmem>>, vector<1x256x2048xf32>
    %get3A_15 = vector.shape_cast %get3A_14 : vector<1x256x2048xf32> to vector<256x2048xf32>
    %sub3A = arith.constant 1.000000e+00 : f32
    %sub3A_16 = vector.broadcast %sub3A : f32 to vector<256x2048xf32>
    %sub3A_17 = arith.subf %sub3A_16, %get3A_15 : vector<256x2048xf32>
    %mul3A_18 = arith.constant -1.000000e+09 : f32
    %mul3A_19 = vector.broadcast %mul3A_18 : f32 to vector<256x2048xf32>
    %mul3A_20 = arith.mulf %mul3A_19, %sub3A_17 : vector<256x2048xf32>
    %slice3A = vector.extract_strided_slice %dot_general3A_10 {offsets = [0, 0], sizes = [256, 1], strides = [1, 1]} : vector<256x2xf32> to vector<256x1xf32>
    %get3A_21 = arith.constant 0 : index
    %get3A_22 = arith.constant 0 : index
    %get3A_23 = vector.load %arg18[%get3A_21, %get3A_22] : memref<8x2048xf32, #tpu.memory_space<vmem>>, vector<1x2048xf32>
    %add3A = vector.broadcast %slice3A : vector<256x1xf32> to vector<256x2048xf32>
    %add3A_24 = vector.broadcast %get3A_23 : vector<1x2048xf32> to vector<256x2048xf32>
    %add3A_25 = arith.addf %add3A, %add3A_24 : vector<256x2048xf32>
    %gt3A = arith.constant 0.000000e+00 : f32
    %gt3A_26 = vector.broadcast %gt3A : f32 to vector<256x2048xf32>
    %gt3A_27 = arith.cmpf ogt, %add3A_25, %gt3A_26 : vector<256x2048xf32>
    %mul3A_28 = arith.constant 2.000000e-01 : f32
    %mul3A_29 = vector.broadcast %mul3A_28 : f32 to vector<256x2048xf32>
    %mul3A_30 = arith.mulf %mul3A_29, %add3A_25 : vector<256x2048xf32>
    %select_n3A = arith.select %gt3A_27, %add3A_25, %mul3A_30 : vector<256x2048xi1>, vector<256x2048xf32>
    %add3A_31 = arith.addf %select_n3A, %mul3A_20 : vector<256x2048xf32>
    %reduce_max3A = arith.constant dense<0xFF800000> : vector<256xf32>
    %reduce_max3A_32 = vector.multi_reduction <maximumf>, %add3A_31, %reduce_max3A [1] : vector<256x2048xf32> to vector<256xf32>
    %broadcast_in_dim3A = vector.shape_cast %reduce_max3A_32 : vector<256xf32> to vector<256x1xf32>
    %sub3A_33 = vector.broadcast %broadcast_in_dim3A : vector<256x1xf32> to vector<256x2048xf32>
    %sub3A_34 = arith.subf %add3A_31, %sub3A_33 : vector<256x2048xf32>
    %exp3A = math.exp %sub3A_34 : vector<256x2048xf32>
    %reduce_sum3A = arith.constant dense<0.000000e+00> : vector<256xf32>
    %reduce_sum3A_35 = vector.multi_reduction <add>, %exp3A, %reduce_sum3A [1] : vector<256x2048xf32> to vector<256xf32>
    %broadcast_in_dim3A_36 = vector.shape_cast %reduce_sum3A_35 : vector<256xf32> to vector<256x1xf32>
    %div3A = vector.broadcast %broadcast_in_dim3A_36 : vector<256x1xf32> to vector<256x2048xf32>
    %div3A_37 = arith.divf %exp3A, %div3A : vector<256x2048xf32>
    %get3A_38 = arith.constant 0 : index
    %get3A_39 = arith.constant 0 : index
    %get3A_40 = vector.load %arg17[%get3A_38, %get3A_39] : memref<2048x64xf32, #tpu.memory_space<vmem>>, vector<2048x32xf32>
    %dot_general3A_41 = arith.constant dense<0.000000e+00> : vector<256x32xf32>
    %dot_general3A_42 = tpu.matmul %div3A_37, %get3A_40, %dot_general3A_41 {dimension_numbers = #tpu.dot_dimension_numbers<[1], [0], [0], [1], [0, 0, 1, 1], [], []>, transpose_lhs_hint = false} : vector<256x2048xf32>, vector<2048x32xf32>, vector<256x32xf32> -> vector<256x32xf32>
    %slice3A_43 = vector.extract_strided_slice %dot_general3A_10 {offsets = [0, 1], sizes = [256, 1], strides = [1, 1]} : vector<256x2xf32> to vector<256x1xf32>
    %get3A_44 = arith.constant 1 : index
    %get3A_45 = arith.constant 0 : index
    %get3A_46 = vector.load %arg18[%get3A_44, %get3A_45] : memref<8x2048xf32, #tpu.memory_space<vmem>>, vector<1x2048xf32>
    %add3A_47 = vector.broadcast %slice3A_43 : vector<256x1xf32> to vector<256x2048xf32>
    %add3A_48 = vector.broadcast %get3A_46 : vector<1x2048xf32> to vector<256x2048xf32>
    %add3A_49 = arith.addf %add3A_47, %add3A_48 : vector<256x2048xf32>
    %gt3A_50 = arith.constant 0.000000e+00 : f32
    %gt3A_51 = vector.broadcast %gt3A_50 : f32 to vector<256x2048xf32>
    %gt3A_52 = arith.cmpf ogt, %add3A_49, %gt3A_51 : vector<256x2048xf32>
    %mul3A_53 = arith.constant 2.000000e-01 : f32
    %mul3A_54 = vector.broadcast %mul3A_53 : f32 to vector<256x2048xf32>
    %mul3A_55 = arith.mulf %mul3A_54, %add3A_49 : vector<256x2048xf32>
    %select_n3A_56 = arith.select %gt3A_52, %add3A_49, %mul3A_55 : vector<256x2048xi1>, vector<256x2048xf32>
    %add3A_57 = arith.addf %select_n3A_56, %mul3A_20 : vector<256x2048xf32>
    %reduce_max3A_58 = arith.constant dense<0xFF800000> : vector<256xf32>
    %reduce_max3A_59 = vector.multi_reduction <maximumf>, %add3A_57, %reduce_max3A_58 [1] : vector<256x2048xf32> to vector<256xf32>
    %broadcast_in_dim3A_60 = vector.shape_cast %reduce_max3A_59 : vector<256xf32> to vector<256x1xf32>
    %sub3A_61 = vector.broadcast %broadcast_in_dim3A_60 : vector<256x1xf32> to vector<256x2048xf32>
    %sub3A_62 = arith.subf %add3A_57, %sub3A_61 : vector<256x2048xf32>
    %exp3A_63 = math.exp %sub3A_62 : vector<256x2048xf32>
    %reduce_sum3A_64 = arith.constant dense<0.000000e+00> : vector<256xf32>
    %reduce_sum3A_65 = vector.multi_reduction <add>, %exp3A_63, %reduce_sum3A_64 [1] : vector<256x2048xf32> to vector<256xf32>
    %broadcast_in_dim3A_66 = vector.shape_cast %reduce_sum3A_65 : vector<256xf32> to vector<256x1xf32>
    %div3A_67 = vector.broadcast %broadcast_in_dim3A_66 : vector<256x1xf32> to vector<256x2048xf32>
    %div3A_68 = arith.divf %exp3A_63, %div3A_67 : vector<256x2048xf32>
    %get3A_69 = arith.constant 0 : index
    %get3A_70 = arith.constant 32 : index
    %get3A_71 = vector.load %arg17[%get3A_69, %get3A_70] : memref<2048x64xf32, #tpu.memory_space<vmem>>, vector<2048x32xf32>
    %dot_general3A_72 = arith.constant dense<0.000000e+00> : vector<256x32xf32>
    %dot_general3A_73 = tpu.matmul %div3A_68, %get3A_71, %dot_general3A_72 {dimension_numbers = #tpu.dot_dimension_numbers<[1], [0], [0], [1], [0, 0, 1, 1], [], []>, transpose_lhs_hint = false} : vector<256x2048xf32>, vector<2048x32xf32>, vector<256x32xf32> -> vector<256x32xf32>
    %concatenate3A = tpu.concatenate %dot_general3A_42, %dot_general3A_73 in 1 : vector<256x32xf32>, vector<256x32xf32> -> vector<256x64xf32>
    %get3A_74 = arith.constant 0 : index
    %get3A_75 = arith.constant 0 : index
    %get3A_76 = vector.load %arg9[%get3A_74, %get3A_75] : memref<1x64xf32, #tpu.memory_space<vmem>>, vector<1x64xf32>
    %add3A_77 = vector.broadcast %get3A_76 : vector<1x64xf32> to vector<256x64xf32>
    %add3A_78 = arith.addf %concatenate3A, %add3A_77 : vector<256x64xf32>
    %get3A_79 = arith.constant 0 : index
    %get3A_80 = arith.constant 0 : index
    %get3A_81 = arith.constant 0 : index
    %get3A_82 = vector.load %arg5[%get3A_79, %get3A_80, %get3A_81] : memref<1x256x64xf32, #tpu.memory_space<vmem>>, vector<1x256x64xf32>
    %get3A_83 = vector.shape_cast %get3A_82 : vector<1x256x64xf32> to vector<256x64xf32>
    %get3A_84 = arith.constant 0 : index
    %get3A_85 = arith.constant 0 : index
    %get3A_86 = vector.load %arg10[%get3A_84, %get3A_85] : memref<256x1xf32, #tpu.memory_space<vmem>>, vector<256x1xf32>
    %get3A_87 = arith.constant 0 : index
    %get3A_88 = arith.constant 0 : index
    %get3A_89 = vector.load %arg13[%get3A_87, %get3A_88] : memref<128x64xf32, #tpu.memory_space<vmem>>, vector<64x64xf32>
    %dot_general3A_90 = arith.constant dense<0.000000e+00> : vector<256x64xf32>
    %dot_general3A_91 = tpu.matmul %add3A_78, %get3A_89, %dot_general3A_90 {dimension_numbers = #tpu.dot_dimension_numbers<[1], [0], [0], [1], [0, 0, 1, 1], [], []>, transpose_lhs_hint = false} : vector<256x64xf32>, vector<64x64xf32>, vector<256x64xf32> -> vector<256x64xf32>
    %add3A_92 = vector.broadcast %get3A_86 : vector<256x1xf32> to vector<256x64xf32>
    %add3A_93 = arith.addf %add3A_92, %dot_general3A_91 : vector<256x64xf32>
    %get3A_94 = arith.constant 64 : index
    %get3A_95 = arith.constant 0 : index
    %get3A_96 = vector.load %arg13[%get3A_94, %get3A_95] : memref<128x64xf32, #tpu.memory_space<vmem>>, vector<64x64xf32>
    %dot_general3A_97 = arith.constant dense<0.000000e+00> : vector<256x64xf32>
    %dot_general3A_98 = tpu.matmul %get3A_83, %get3A_96, %dot_general3A_97 {dimension_numbers = #tpu.dot_dimension_numbers<[1], [0], [0], [1], [0, 0, 1, 1], [], []>, transpose_lhs_hint = false} : vector<256x64xf32>, vector<64x64xf32>, vector<256x64xf32> -> vector<256x64xf32>
    %add3A_99 = arith.addf %add3A_93, %dot_general3A_98 : vector<256x64xf32>
    %logistic3A = arith.negf %add3A_99 : vector<256x64xf32>
    %logistic3A_100 = math.exp %logistic3A : vector<256x64xf32>
    %logistic3A_101 = arith.constant 1.000000e+00 : f32
    %logistic3A_102 = vector.broadcast %logistic3A_101 : f32 to vector<256x64xf32>
    %logistic3A_103 = arith.addf %logistic3A_102, %logistic3A_100 : vector<256x64xf32>
    %logistic3A_104 = arith.divf %logistic3A_102, %logistic3A_103 : vector<256x64xf32>
    %get3A_105 = arith.constant 0 : index
    %get3A_106 = arith.constant 0 : index
    %get3A_107 = vector.load %arg11[%get3A_105, %get3A_106] : memref<256x1xf32, #tpu.memory_space<vmem>>, vector<256x1xf32>
    %get3A_108 = arith.constant 0 : index
    %get3A_109 = arith.constant 0 : index
    %get3A_110 = vector.load %arg14[%get3A_108, %get3A_109] : memref<128x64xf32, #tpu.memory_space<vmem>>, vector<64x64xf32>
    %dot_general3A_111 = arith.constant dense<0.000000e+00> : vector<256x64xf32>
    %dot_general3A_112 = tpu.matmul %add3A_78, %get3A_110, %dot_general3A_111 {dimension_numbers = #tpu.dot_dimension_numbers<[1], [0], [0], [1], [0, 0, 1, 1], [], []>, transpose_lhs_hint = false} : vector<256x64xf32>, vector<64x64xf32>, vector<256x64xf32> -> vector<256x64xf32>
    %add3A_113 = vector.broadcast %get3A_107 : vector<256x1xf32> to vector<256x64xf32>
    %add3A_114 = arith.addf %add3A_113, %dot_general3A_112 : vector<256x64xf32>
    %get3A_115 = arith.constant 64 : index
    %get3A_116 = arith.constant 0 : index
    %get3A_117 = vector.load %arg14[%get3A_115, %get3A_116] : memref<128x64xf32, #tpu.memory_space<vmem>>, vector<64x64xf32>
    %dot_general3A_118 = arith.constant dense<0.000000e+00> : vector<256x64xf32>
    %dot_general3A_119 = tpu.matmul %get3A_83, %get3A_117, %dot_general3A_118 {dimension_numbers = #tpu.dot_dimension_numbers<[1], [0], [0], [1], [0, 0, 1, 1], [], []>, transpose_lhs_hint = false} : vector<256x64xf32>, vector<64x64xf32>, vector<256x64xf32> -> vector<256x64xf32>
    %add3A_120 = arith.addf %add3A_114, %dot_general3A_119 : vector<256x64xf32>
    %logistic3A_121 = arith.negf %add3A_120 : vector<256x64xf32>
    %logistic3A_122 = math.exp %logistic3A_121 : vector<256x64xf32>
    %logistic3A_123 = arith.constant 1.000000e+00 : f32
    %logistic3A_124 = vector.broadcast %logistic3A_123 : f32 to vector<256x64xf32>
    %logistic3A_125 = arith.addf %logistic3A_124, %logistic3A_122 : vector<256x64xf32>
    %logistic3A_126 = arith.divf %logistic3A_124, %logistic3A_125 : vector<256x64xf32>
    %mul3A_127 = arith.mulf %logistic3A_126, %get3A_83 : vector<256x64xf32>
    %get3A_128 = arith.constant 0 : index
    %get3A_129 = arith.constant 0 : index
    %get3A_130 = vector.load %arg12[%get3A_128, %get3A_129] : memref<256x1xf32, #tpu.memory_space<vmem>>, vector<256x1xf32>
    %get3A_131 = arith.constant 0 : index
    %get3A_132 = arith.constant 0 : index
    %get3A_133 = vector.load %arg15[%get3A_131, %get3A_132] : memref<128x64xf32, #tpu.memory_space<vmem>>, vector<64x64xf32>
    %dot_general3A_134 = arith.constant dense<0.000000e+00> : vector<256x64xf32>
    %dot_general3A_135 = tpu.matmul %add3A_78, %get3A_133, %dot_general3A_134 {dimension_numbers = #tpu.dot_dimension_numbers<[1], [0], [0], [1], [0, 0, 1, 1], [], []>, transpose_lhs_hint = false} : vector<256x64xf32>, vector<64x64xf32>, vector<256x64xf32> -> vector<256x64xf32>
    %add3A_136 = vector.broadcast %get3A_130 : vector<256x1xf32> to vector<256x64xf32>
    %add3A_137 = arith.addf %add3A_136, %dot_general3A_135 : vector<256x64xf32>
    %get3A_138 = arith.constant 64 : index
    %get3A_139 = arith.constant 0 : index
    %get3A_140 = vector.load %arg15[%get3A_138, %get3A_139] : memref<128x64xf32, #tpu.memory_space<vmem>>, vector<64x64xf32>
    %dot_general3A_141 = arith.constant dense<0.000000e+00> : vector<256x64xf32>
    %dot_general3A_142 = tpu.matmul %mul3A_127, %get3A_140, %dot_general3A_141 {dimension_numbers = #tpu.dot_dimension_numbers<[1], [0], [0], [1], [0, 0, 1, 1], [], []>, transpose_lhs_hint = false} : vector<256x64xf32>, vector<64x64xf32>, vector<256x64xf32> -> vector<256x64xf32>
    %add3A_143 = arith.addf %add3A_137, %dot_general3A_142 : vector<256x64xf32>
    %tanh3A = math.tanh %add3A_143 : vector<256x64xf32>
    %mul3A_144 = arith.mulf %logistic3A_104, %get3A_83 : vector<256x64xf32>
    %sub3A_145 = arith.constant 1.000000e+00 : f32
    %sub3A_146 = vector.broadcast %sub3A_145 : f32 to vector<256x64xf32>
    %sub3A_147 = arith.subf %sub3A_146, %logistic3A_104 : vector<256x64xf32>
    %mul3A_148 = arith.mulf %sub3A_147, %tanh3A : vector<256x64xf32>
    %add3A_149 = arith.addf %mul3A_144, %mul3A_148 : vector<256x64xf32>
    %swap3A = arith.constant 0 : index
    %swap3A_150 = arith.constant 0 : index
    %swap3A_151 = arith.constant 0 : index
    %swap3A_152 = vector.load %arg16[%swap3A, %swap3A_150, %swap3A_151] : memref<1x256x64xf32, #tpu.memory_space<vmem>>, vector<1x256x64xf32>
    %swap3A_153 = vector.shape_cast %swap3A_152 : vector<1x256x64xf32> to vector<256x64xf32>
    %swap3A_154 = vector.shape_cast %add3A_149 : vector<256x64xf32> to vector<1x256x64xf32>
    tpu.vector_store %arg16[%swap3A, %swap3A_150, %swap3A_151], %swap3A_154 {strides = array<i32>} : memref<1x256x64xf32, #tpu.memory_space<vmem>>, vector<1x256x64xf32>,
    return
  }
  func.func @transform_0(%arg0: i32, %arg1: i32) -> (i32, i32, i32) {
    %c0_i32 = arith.constant 0 : i32
    %c0_i32_0 = arith.constant 0 : i32
    %c0_i32_1 = arith.constant 0 : i32
    return %arg0, %c0_i32, %c0_i32_0 : i32, i32, i32
  }
  func.func @transform_1(%arg0: i32, %arg1: i32) -> (i32, i32, i32) {
    %c0_i32 = arith.constant 0 : i32
    %c0_i32_0 = arith.constant 0 : i32
    %c0_i32_1 = arith.constant 0 : i32
    return %arg0, %c0_i32, %c0_i32_0 : i32, i32, i32
  }
  func.func @transform_2(%arg0: i32, %arg1: i32) -> (i32, i32, i32) {
    %c0_i32 = arith.constant 0 : i32
    %c0_i32_0 = arith.constant 0 : i32
    return %arg0, %arg1, %c0_i32 : i32, i32, i32
  }
  func.func @transform_3(%arg0: i32, %arg1: i32) -> (i32, i32, i32) {
    %c0_i32 = arith.constant 0 : i32
    %c0_i32_0 = arith.constant 0 : i32
    return %arg0, %arg1, %c0_i32 : i32, i32, i32
  }
  func.func @transform_4(%arg0: i32, %arg1: i32) -> (i32, i32) {
    %c0_i32 = arith.constant 0 : i32
    %c0_i32_0 = arith.constant 0 : i32
    %c0_i32_1 = arith.constant 0 : i32
    return %c0_i32, %c0_i32_0 : i32, i32
  }
  func.func @transform_5(%arg0: i32, %arg1: i32) -> (i32, i32) {
    %c0_i32 = arith.constant 0 : i32
    %c0_i32_0 = arith.constant 0 : i32
    %c0_i32_1 = arith.constant 0 : i32
    return %c0_i32, %c0_i32_0 : i32, i32
  }
  func.func @transform_6(%arg0: i32, %arg1: i32) -> (i32, i32) {
    %c0_i32 = arith.constant 0 : i32
    %c0_i32_0 = arith.constant 0 : i32
    %c0_i32_1 = arith.constant 0 : i32
    return %c0_i32, %c0_i32_0 : i32, i32
  }
  func.func @transform_7(%arg0: i32, %arg1: i32) -> (i32, i32) {
    %c0_i32 = arith.constant 0 : i32
    %c0_i32_0 = arith.constant 0 : i32
    %c0_i32_1 = arith.constant 0 : i32
    return %c0_i32, %c0_i32_0 : i32, i32
  }
  func.func @transform_8(%arg0: i32, %arg1: i32) -> (i32, i32) {
    %c0_i32 = arith.constant 0 : i32
    %c0_i32_0 = arith.constant 0 : i32
    return %arg1, %c0_i32 : i32, i32
  }
  func.func @transform_9(%arg0: i32, %arg1: i32) -> (i32, i32) {
    %c0_i32 = arith.constant 0 : i32
    %c0_i32_0 = arith.constant 0 : i32
    return %arg1, %c0_i32 : i32, i32
  }
  func.func @transform_10(%arg0: i32, %arg1: i32) -> (i32, i32) {
    %c0_i32 = arith.constant 0 : i32
    %c0_i32_0 = arith.constant 0 : i32
    return %arg1, %c0_i32 : i32, i32
  }
  func.func @transform_11(%arg0: i32, %arg1: i32) -> (i32, i32) {
    %c0_i32 = arith.constant 0 : i32
    %c0_i32_0 = arith.constant 0 : i32
    %c0_i32_1 = arith.constant 0 : i32
    return %c0_i32, %c0_i32_0 : i32, i32
  }
  func.func @transform_12(%arg0: i32, %arg1: i32) -> (i32, i32) {
    %c0_i32 = arith.constant 0 : i32
    %c0_i32_0 = arith.constant 0 : i32
    %c0_i32_1 = arith.constant 0 : i32
    return %c0_i32, %c0_i32_0 : i32, i32
  }
  func.func @transform_13(%arg0: i32, %arg1: i32) -> (i32, i32) {
    %c0_i32 = arith.constant 0 : i32
    %c0_i32_0 = arith.constant 0 : i32
    %c0_i32_1 = arith.constant 0 : i32
    return %c0_i32, %c0_i32_0 : i32, i32
  }
  func.func @transform_14(%arg0: i32, %arg1: i32) -> (i32, i32, i32) {
    %c0_i32 = arith.constant 0 : i32
    %c0_i32_0 = arith.constant 0 : i32
    return %arg0, %arg1, %c0_i32 : i32, i32, i32
  }
}

</mosaic_0001>

<sc_bundles>
// kernel: sparse-core-data-format-call.cloned.1.call-start
scs
called_computation_lowered:
.L_overlay_start_0:
0x0: {  	s2 =	sld [smem:$0x3FD9]  }
0x1: {  	s3 =	sld [smem:$0x3FFE];
	_ =	sdelay $0x1  }
0x2: {  	s1 =	srdreg.scid  }
0x3: {  	s0 =	sand.u32 $0x1, s1  }
0x4: {  	s15 =	sshll.u32 s0, $0xA;
	s2 =	sadd.s32 s3, s2  }
0x5: {  	s2 =	sadd.s32 s2, s15  }
0x6: {  	[smem:$0x3FB8] =	sst s2  }
0x7: {  	_ = 	snop  }
0x8: {  	s2 =	sld [smem:$0x3FD0];
	_ =	sdelay $0x2  }
0x9: {  	s16 =	simm.s32 $0xA;
	s4 =	simm.s32 $0x10  }
0xa: {  	[smem:s4], [sflag:s16] =	dma.local [hbm:s2], $0x1  }
0xb: {  	_ =	swait.eq [sflag:s16], $0x1  }
0xc: {  	[sflag:s16] =	ssyncset.done $0x0  }
0xd: {  	[sflag:s16] =	ssyncadd.s32 $0xFFFFFFFF  }
0xe: {  	s17 =	sld [smem:$0x10];
	(tm) =	ssettm $0x1  }
0xf: {  	s18 =	sld [smem:$0x3FFB];
	_ =	sdelay $0x3  }
0x10: {  	_ =	strace s18  }
0x11: {  	s3 =	sld [smem:$0x3FFC];
	_ =	sdelay $0x3  }
0x12: {  	_ =	strace s3  }
0x13: {  	s3 =	sld [smem:$0x3FFD];
	_ =	sdelay $0x3  }
0x14: {  	_ =	strace s3  }
0x15: {  	_ =	strace $0x8FFFFFFF  }
0x16: {  	s19 =	sld [smem:$0x3FDB];
	_ =	sdelay $0x1  }
0x17: {  	s20 =	simm.s32 $_scs_section_size  }
0x18: {  	s5 =	simm.s32 $_size__tile_overlayer_lowered;
	s6 =	simm.s32 $_tile_overlayer_lowered  }
0x19: {  	s23 =	simm.s32 $0x1BFF;
	s22 =	sshll.u32 s6, $0x1;
	s3 =	sadd.s32 s20, s19  }
0x1a: {  	s7 =	simm.s32 $0x0;
	s21 =	sshll.u32 s5, $0x1;
	s5 =	sadd.s32 s22, s3  }
0x1b: {  	[timem:s7], [sflag:s23] =	dma.local [hbm:s5], s21  }
0x1c: {  	_ =	swait.ge [sflag:s23], s21  }
0x1d: {  	s4 =	ssub.s32 $0x0, s21;
	[sflag:s23] =	ssyncset.done $0x0  }
0x1e: {  	[sflag:s23] =	ssyncadd.s32 s4;
	_ =	sdelay $0x1  }
0x1f: {  	s24 =	simm.s32 $0x1B8B  }
0x20: {  	_ =	swait.ge [sflag:s24], $0x1  }
0x21: {  	[sflag:s24] =	ssyncset.done $0x0  }
0x22: {  	s26 =	simm.s32 $0x1B8E;
	s25 =	sld [smem:$0x3FFE];
	[sflag:s24] =	ssyncadd.s32 $0xFFFFFFFF  }
0x23: {  	s27 =	simm.s32 $execute0_lowered;
	[smem:$0x3FD2] =	sst s26  }
0x24: {  	s5 =	sshll.u32 s27, $0x1;
	_ =	strace $0x80000046;
	[dreg:$0x1] =	wrdreg $0xFFFFFFFF  }
0x25: {  	s28 =	simm.s32 $_size_execute0_lowered;
	s3 =	sadd.s32 s3, s5;
	[dreg:$0x0] =	wrdreg $0x0  }
0x26: {  	s5 =	sshll.u32 s28, $0x1;
	[dreg:$0x2] =	wrdreg s3  }
0x27: {  	[dreg:$0x3] =	wrdreg s5  }
0x28: {  	[dreg:$0x4] =	wrdreg $0xC0  }
0x29: {  	_ =	task [dreg:s7], $0x5FFFF  }
0x2a: {  	[dreg:$0x1] =	wrdreg $0xFFFFFFFF  }
0x2b: {  	[dreg:$0x0] =	wrdreg $0x60  }
0x2c: {  	[dreg:$0x2] =	wrdreg s25  }
0x2d: {  	[dreg:$0x3] =	wrdreg s17  }
0x2e: {  	[dreg:$0x4] =	wrdreg $0x9  }
0x2f: {  	_ =	task.clear_ibuf [dreg:s7], $0x5FFFF;
	_ =	strace $0x90000046  }
0x30: {  	s29 =	simm.s32 $0x9;
	_ =	strace $0x80000048  }
0x31: {  	_ =	swait.ge [sflag:s29], $0x1  }
0x32: {  	[sflag:s29] =	ssyncadd.s32 $0xFFFFFFFF  }
0x33: {  	_ =	strace $0x90000048  }
0x34: {  	_ =	sfence  }
0x35: {  	s30 =	sld [smem:$0x0];
	_ =	sdelay $0x2  }
0x36: {  	s31 =	sshll.u32 s1, $0xD;
	s1 =	sshrl.u32 s1, $0x2  }
0x37: {  	s3 =	sand.u32 $0x4000, s31;
	s1 =	sadd.s32 s1, s30  }
0x38: {  	s0 =	sor.u32 s3, s0;
	s1 =	sshll.u32 s1, $0x11  }
0x39: {  	s0 =	sor.u32 s1, s0  }
0x3a: {  	s0 =	sadd.s32 $0x8F2B, s0  }
0x3b: {  	[sflag:s0] =	ssyncadd.remote.s32 $0x1  }
0x3c: {  	_ =	sfence.sel $0xFFFF  }
0x3d: {  	[dreg:$0x0] =	wrdreg $0xFFFFFFFF;
	(pc) =	sbr.abs _section_cstart, $3  }
0x3e: {  	[dreg:$0x1] =	wrdreg $0xFFFFFFFF  }
0x3f: {  	_ =	task.clear_ibuf [dreg:s7], $0x2FFFF;
	_ =	strace $0x9FFFFFFF  }
0x40: {  	(tm) =	ssettm $0x7FFFFFFF  }
0x41: {  	_ =	shalt  }
tec
execute0_lowered:
.L_overlay_start_1:
0x0: {  	(tag) =	ssettag $0x1  }
0x1: {  	s0 =	stileid.u32;
	s2 =	srdreg.scid  }
0x2: {  	s7 =	rddreg [dreg:$0x0];
	s8 =	simm.s32 $0x2;
	s1 =	sshll.u32 s0, $0x7  }
0x3: {  	s18 =	simm.s32 $0x0;
	s9 =	simm.s32 $0x4000;
	s3 =	ssub.s32 $0x800, s1  }
0x4: {  	s16 =	simm.s32 $0x0;
	s2 =	sand.u32 $0x1, s2;
	s4 =	sand.u32 $0x780, s3  }
0x5: {  	s5 =	ssub.s32 $0x2, s2;
	p0 =	sne.s32 s4, $0x0;
	s4 =	simm.s32 $0x1  }
0x6: {  	s3 =	sshrl.u32 s3, $0xB;
	s6 =	sshrl.u32 s5, $0x1;
	s4 =	simm.s32 @!p0 $0x0  }
0x7: {  	s17 =	simm.s32 $0x0;
	s5 =	ssub.s32 s5, s6;
	s3 =	sadd.s32 s4, s3  }
0x8: {  	s15 =	simm.s32 $0x0;
	s10 =	simm.s32 $0x0;
	s6 =	smul.u32 s3, s5  }
.Ltmp0:
0x9: {  	s12 =	simm.s32 $0x0;
	s4 =	rddreg [dreg:$0x1];
	(pc) =	sbr.rel .LBB1_1-.Ltmp0, $4  }
0xa: {  	s14 =	simm.s32 $0x0;
	s7 =	sadd.s32 $0x11600, s7;
	s3 =	rddreg [dreg:$0x2]  }
0xb: {  	_ =	strace $0x80000047;
	s5 =	simm.s32 $0x1;
	s6 =	smul.u32 $0x30, s6  }
0xc: {  	s11 =	smov.u32 s2;
	s13 =	smov.u32 s1;
	[sflag:s5] =	ssyncpa.u1 $0x0  }
0xd: {  	p0 =	por $0x0, $0x0;
	[sflag:s8] =	ssyncpa.u1 $0x0;
	s8 =	sor.u32 $0x1, s6  }
.LBB1_4:
0xe: {  	v5 =	vld [tilespmem:s21+$0xFFFFFFD0];
	[tilespmem:s22+$0x2040 ss:$0x81] =	vst.msk $0xffff, v2  }
0xf: {  	v58 =	vld [tilespmem:s21+$0xFFFFFFE0];
	[tilespmem:s22+$0x2850 ss:$0x81] =	vst.msk $0xffff, v3  }
0x10: {  	s23 =	sshra.s32 s23, $0x2;
	v59 =	vld [tilespmem:s21+$0xFFFFFFF0];
	[tilespmem:s22+$0x3060 ss:$0x81] =	vst.msk $0xffff, v4  }
0x11: {  	v60 =	vld [tilespmem:s21+$0x0];
	[tilespmem:s22+$0x0 ss:$0x81] =	vst.msk $0xffff, v0;
	s20 =	sadd.s32 s23, s20  }
0x12: {  	s25 =	sshll.u32 s18, $0xB;
	s26 =	sshll.u32 s15, $0x3;
	v61 =	vld [tilespmem:s21+$0x10];
	s27 =	sshll.u32 s18, $0x7;
	[tilespmem:s20+$0x3870 ss:$0x81] =	vst.msk $0xffff, v1  }
0x13: {  	v62 =	vld [tilespmem:s21+$0x20];
	s28 =	sand.u32 $0x78, s15;
	s16 =	smul.u32 $0x180000, s16;
	s17 =	sshll.u32 s17, $0x13;
	[tilespmem:s20+$0x810 ss:$0x81] =	vst.msk $0xffff, v5  }
0x14: {  	v63 =	vld [tilespmem:s21+$0xFFFFFFC0];
	s30 =	sand.u32 $0x7, s15;
	s22 =	sand.u32 $0x3FC000, s25;
	s24 =	sand.u32 $0x3FFC00, s26;
	[tilespmem:s20+$0x1020 ss:$0x81] =	vst.msk $0xffff, v58  }
0x15: {  	s18 =	sand.u32 $0x380, s27;
	s23 =	sand.u32 $0x400, s26;
	s22 =	sadd.s32 s24, s22;
	[tilespmem:s20+$0x1830 ss:$0x81] =	vst.msk $0xffff, v59  }
0x16: {  	s17 =	sadd.s32 s4, s17;
	s21 =	sor.u32 s28, s23;
	s29 =	sshrl.u32 s22, $0x3;
	[tilespmem:s20+$0x2040 ss:$0x81] =	vst.msk $0xffff, v60  }
0x17: {  	s16 =	sadd.s32 s16, s17;
	s18 =	sor.u32 s18, s21;
	s21 =	sand.u32 $0x7FF00, s29;
	[tilespmem:s20+$0x2850 ss:$0x81] =	vst.msk $0xffff, v61  }
0x18: {  	s15 =	sshll.u32 s30, $0x12;
	s31 =	sshrl.u32 s18, $0x3;
	[tilespmem:s20+$0x3060 ss:$0x81] =	vst.msk $0xffff, v62;
	s16 =	sadd.s32 s21, s16  }
0x19: {  	s15 =	sor.u32 $0x400, s15;
	[tilespmem:s20+$0x0 ss:$0x81] =	vst.msk $0xffff, v63;
	s16 =	sadd.s32 s31, s16  }
0x1a: {  	[hbm4b:s16+s15] =	stream.strided.scatter [tilespmem:s19], [sflag:$0x2], $0x4000, s9, s15, $0x20;
	[tilespmem:$0x10100] =	vst v63  }
.LBB1_5:
0x1b: {  	s19 =	sadd.s32 $0x80, s10  }
0x1c: {  	s15 =	sadd.s32 $0x2, s11;
	s20 =	smov.u32 s11;
	p2 =	sgt.s32 s19, $0x7FF  }
0x1d: {  	s20 =	smov.u32 @p2 s15  }
0x1e: {  	s15 =	simm.s32 $0x1;
	p3 =	sgt.s32 s20, $0x1  }
0x1f: {  	s15 =	simm.s32 @!p3 $0x0  }
0x20: {  	s21 =	sadd.s32 s15, s12  }
0x21: {  	s22 =	smov.u32 s13;
	s15 =	sadd.s32 $0x800, s13;
	p4 =	sgt.s32 s21, $0x2  }
0x22: {  	p1 =	slt.u32 s14, $0x2;
	s22 =	smov.u32 @p4 s15  }
0x23: {  	s18 =	smov.u32 s10;
	s19 =	simm.s32 @p2 $0x0;
	p2 =	sgt.s32 s22, $0x7FF  }
0x24: {  	s23 =	simm.s32 @!p1 $0x2;
	s22 =	smov.u32 @p2 s1;
	p2 =	sne.s32 s14, s8  }
.Ltmp1:
0x25: {  	s16 =	smov.u32 s11;
	_ =	swait.ge @!p1 [sflag:s23], $0x4000;
	(pc) =	sbr.rel @!p2 .LBB1_6-.Ltmp1, $4  }
0x26: {  	s17 =	smov.u32 s12;
	p0 =	por !p0, !p0;
	[sflag:s23] =	ssyncset.done @!p1 $0x0  }
0x27: {  	s10 =	smov.u32 s19;
	s20 =	smov.u32 @p3 s2;
	[sflag:s23] =	ssyncadd.s32 @!p1 $0xFFFFC000  }
0x28: {  	s11 =	smov.u32 s20;
	s21 =	simm.s32 @p4 $0x0;
	s15 =	smov.u32 s13  }
0x29: {  	s12 =	smov.u32 s21;
	s14 =	sadd.s32 $0x1, s14;
	s13 =	smov.u32 s22  }
.LBB1_1:
0x2a: {  	p1 =	sge.u32 s14, s6  }
0x2b: {  	s31 =	sadd.s32 $0xFFFFFFFF, s14;
	s19 =	sxor.u32 @!p1 $0xFFFFFFFF, s14;
	s20 =	sshll.u32 @!p1 s11, $0x7  }
0x2c: {  	s21 =	sand.u32 @!p1 $0x78, s10;
	s22 =	sshll.u32 @!p1 s10, $0x1;
	s20 =	sand.u32 @!p1 $0x80, s20  }
0x2d: {  	s23 =	sshrl.u32 @!p1 s10, $0x2;
	s20 =	sor.u32 @!p1 s20, s21;
	s21 =	smul.u32 @!p1 $0x600, s13  }
0x2e: {  	s19 =	sshll.u32 @!p1 s19, $0xE;
	s22 =	sand.u32 @!p1 $0x700, s22;
	s23 =	sand.u32 @!p1 $0x100, s23  }
0x2f: {  	s20 =	sor.u32 @!p1 s22, s20;
	s22 =	sshll.u32 @!p1 s12, $0x9;
	s21 =	sadd.s32 @!p1 s7, s21  }
0x30: {  	s19 =	sand.u32 @!p1 $0x4000, s19;
	s21 =	sadd.s32 @!p1 s22, s21;
	s22 =	sand.u32 @!p1 $0x7, s10  }
0x31: {  	s20 =	sshrl.u32 @!p1 s20, $0x3;
	s21 =	sadd.s32 @!p1 s23, s21;
	s22 =	sshll.u32 @!p1 s22, $0x12  }
0x32: {  	s20 =	sadd.s32 @!p1 s20, s21;
	s21 =	sor.u32 @!p1 $0x80, s22;
	s22 =	simm.s32 @!p1 $0x3000  }
0x33: {  	[tilespmem:s19], [sflag:$0x1] =	stream.strided.gather @!p1 [hbm4b:s20+s21], $0x4000, s22, s21, $0x38;
	[tilespmem:$0x10100] =	vst v63  }
0x34: {  	p1 =	sge.u32 s31, s6  }
.Ltmp2:
0x35: {  	_ = 	snop;
	(pc) =	sbr.rel @p1 .LBB1_5-.Ltmp2, $1  }
0x36: {  	_ =	sdelay $0x3  }
0x37: {  	s19 =	simm.s32 $0x1  }
0x38: {  	_ =	swait.ge [sflag:s5], $0x4000;
	s19 =	simm.s32 @!p0 $0x0  }
0x39: {  	[sflag:s5] =	ssyncset.done $0x0;
	s20 =	sshll.u32 s19, $0xE  }
0x3a: {  	[sflag:s5] =	ssyncadd.s32 $0xFFFFC000;
	s21 =	sor.u32 $0x40, s20  }
0x3b: {  	s19 =	smul.u32 $0x10200, s19;
	v0 =	vld [tilespmem:s21+$0x30]  }
0x3c: {  	v1 =	vld [tilespmem:s21+$0xFFFFFFD0]  }
0x3d: {  	s19 =	sshrl.u32 s19, $0x2;
	v5 =	vld [tilespmem:s21+$0xFFFFFFE0]  }
0x3e: {  	v6 =	vld [tilespmem:s21+$0xFFFFFFF0];
	s20 =	sor.u32 $0x8000, s19  }
0x3f: {  	s31 =	sand.u32 $0x1, s14;
	v2 =	vld [tilespmem:s21+$0x0];
	s22 =	sadd.s32 $0x0, s20  }
0x40: {  	v3 =	vld [tilespmem:s21+$0x10];
	s19 =	smul.u32 $0x10200, s31;
	[tilespmem:s22+$0x3870 ss:$0x81] =	vst.msk $0xffff, v0  }
0x41: {  	v4 =	vld [tilespmem:s21+$0x20];
	[tilespmem:s22+$0x810 ss:$0x81] =	vst.msk $0xffff, v1  }
0x42: {  	s19 =	sshrl.u32 s19, $0x2;
	v0 =	vld [tilespmem:s21+$0xFFFFFFC0];
	[tilespmem:s22+$0x1020 ss:$0x81] =	vst.msk $0xffff, v5;
	s21 =	sadd.s32 $0x80, s21  }
0x43: {  	s23 =	simm.s32 $0x4;
	s24 =	simm.s32 $0x8;
	s19 =	sor.u32 $0x8000, s19;
	[tilespmem:s22+$0x1830 ss:$0x81] =	vst.msk $0xffff, v6;
	v1 =	vld [tilespmem:s21+$0x30]  }
.LBB1_3:
0x44: {  	p1 =	sne.s32 s24, $0x1FC;
	v5 =	vld [tilespmem:s21+$0xFFFFFFD0];
	[tilespmem:s22+$0x2040 ss:$0x81] =	vst.msk $0xffff, v2  }
0x45: {  	v6 =	vld [tilespmem:s21+$0xFFFFFFE0];
	[tilespmem:s22+$0x2850 ss:$0x81] =	vst.msk $0xffff, v3  }
0x46: {  	s25 =	sshra.s32 s23, $0x2;
	s23 =	smov.u32 s24;
	v7 =	vld [tilespmem:s21+$0xFFFFFFF0];
	[tilespmem:s22+$0x3060 ss:$0x81] =	vst.msk $0xffff, v4  }
.Ltmp3:
0x47: {  	v2 =	vld [tilespmem:s21+$0x0];
	[tilespmem:s22+$0x0 ss:$0x81] =	vst.msk $0xffff, v0;
	s22 =	sadd.s32 s25, s20;
	(pc) =	sbr.rel @p1 .LBB1_3-.Ltmp3, $4  }
0x48: {  	v3 =	vld [tilespmem:s21+$0x10];
	[tilespmem:s22+$0x3870 ss:$0x81] =	vst.msk $0xffff, v1  }
0x49: {  	[tilespmem:s22+$0x810 ss:$0x81] =	vst.msk $0xffff, v5;
	v4 =	vld [tilespmem:s21+$0x20]  }
0x4a: {  	v0 =	vld [tilespmem:s21+$0xFFFFFFC0];
	[tilespmem:s22+$0x1020 ss:$0x81] =	vst.msk $0xffff, v6;
	s21 =	sadd.s32 $0x80, s21  }
0x4b: {  	s24 =	sadd.s32 $0x4, s24;
	v1 =	vld [tilespmem:s21+$0x30];
	[tilespmem:s22+$0x1830 ss:$0x81] =	vst.msk $0xffff, v7  }
.Ltmp4:
0x4c: {  	_ = 	snop;
	(pc) =	sbr.rel .LBB1_4-.Ltmp4, $1  }
0x4d: {  	_ =	sdelay $0x3  }
.LBB1_6:
0x4e: {  	_ =	sfence.sel $0x180000  }
0x4f: {  	s1 =	simm.s32 $0x1;
	[bflag:$0x0] =	sbarrier.arrive $0xFFFF  }
0x50: {  	s31 =	simm.s32 $0x2;
	[sflag:s1] =	ssyncpa.u1 $0x1  }
0x51: {  	[sflag:s31] =	ssyncpa.u1 $0x1  }
0x52: {  	p0 =	sne.s32 s0, $0x0;
	_ =	strace $0x90000047  }
0x53: {  	s0 =	sadd.s32 @!p0 $0x100000, s3;
	[bflag:$0x2] =	sbarrier.arrive $0xFFFF  }
0x54: {  	[sflag:s0] =	ssyncadd.tile.s32 @!p0 $0x1;
	_ =	shalt  }
.Lfunc_end1:
_tile_overlayer_lowered:
.L_overlay_start_2:
0x55: {  	(tag) =	ssettag $0x2  }
0x56: {  	s0 =	rddreg [dreg:$0x0];
	s2 =	stileid.u32  }
0x57: {  	s1 =	rddreg [dreg:$0x1];
	p0 =	sne.s32 s2, $0x0  }
0x58: {  	s3 =	rddreg [dreg:$0x2];
	[bflag:$0x3] =	sbarrier.arrive $0xFFFF;
	s2 =	simm.s32 @!p0 $0x1C01  }
0x59: {  	[timem:s3], [sflag:s2] =	dma.local @!p0 [hbm:s0], s1  }
0x5a: {  	s0 =	simm.s32 @!p0 $0x1  }
0x5b: {  	_ =	swait.ge @!p0 [sflag:s0], s1  }
0x5c: {  	s1 =	ssub.s32 @!p0 $0x0, s1;
	[sflag:s0] =	ssyncset.done @!p0 $0x0  }
0x5d: {  	[sflag:s0] =	ssyncadd.s32 @!p0 s1  }
0x5e: {  	[bflag:$0x3] =	sbarrier.arrive $0xFFFF  }
0x5f: {  	_ =	shalt  }

</sc_bundles>
